<compile_context>
chip_gen: v7x
topology: tpu7x:2x2x1
jax: 0.10.2.dev20260603
libtpu: 0.0.44.dev20260713+nightly
codegen_flags: <defaults>
</compile_context>

<pallas_src>
import math

import jax
import jax.numpy as jnp
from jax import lax
from jax.experimental import pallas as pl
from jax.experimental.pallas import tpu as pltpu

_BS = 16
_FC = 128
_N = 16384
_MAP_HW = 101
_CELLS = _MAP_HW * _MAP_HW
_CELLS_PAD = 10208
_SENT = _CELLS
_EPS = -1e16
_MAP_SCALE = 0.1
_MAX_DEPTH = 10.0
_HFOV = math.radians(90.0)
_W = 512
_FX = _W / 2 * (1.0 / math.tan(_HFOV / 2))
_CX = _W / 2


def _index_body(dsub_ref, lin_ref):
    z = dsub_ref[...] * _MAX_DEPTH
    valid = jnp.abs(z) > 0.8
    zf = jnp.round(-(z / _MAP_SCALE) + (_MAP_HW - 1))
    j = lax.broadcasted_iota(jnp.int32, (_BS, 128, 128), 2).astype(jnp.float32)
    x = j * 4.0 + 2.0
    xx = (x - _CX) / _FX
    xf = jnp.round((xx * z) / _MAP_SCALE + (_MAP_HW - 1) / 2)
    r0 = zf.astype(jnp.int32)
    c0 = xf.astype(jnp.int32)
    invalid = (
        (r0 >= _MAP_HW) | (c0 >= _MAP_HW) | (r0 < 0) | (c0 < 0)
        | jnp.logical_not(valid)
    )
    lin_ref[...] = jnp.where(invalid, _SENT, r0 * _MAP_HW + c0)


def _scatter_body(lin_ref, feats_ref, out_ref):
    out_ref[...] = jnp.full(out_ref.shape, _EPS, jnp.float32)

    def step(p, carry):
        r = lin_ref[0, 0, p]
        row = feats_ref[0, pl.ds(p, 1), :]
        cur = out_ref[0, pl.ds(r, 1), :]
        out_ref[0, pl.ds(r, 1), :] = jnp.maximum(cur, row)
        return carry

    lax.fori_loop(0, _N, step, 0)
    cleaned = out_ref[...]
    out_ref[...] = jnp.where(cleaned == _EPS, 0.0, cleaned)


def kernel(img_feats, depth):
    dsub = depth[:, 0, 2::4, 2::4]
    lin = pl.pallas_call(
        _index_body,
        out_shape=jax.ShapeDtypeStruct((_BS, 128, 128), jnp.int32),
    )(dsub)
    lin3 = lin.reshape(_BS, 1, _N)
    feats_t = img_feats.reshape(_BS, _FC, _N).transpose(0, 2, 1)
    out = pl.pallas_call(
        _scatter_body,
        grid=(_BS,),
        in_specs=[
            pl.BlockSpec((1, 1, _N), lambda b: (b, 0, 0),
                         memory_space=pltpu.SMEM),
            pl.BlockSpec((1, _N, _FC), lambda b: (b, 0, 0)),
        ],
        out_specs=pl.BlockSpec((1, _CELLS_PAD, _FC), lambda b: (b, 0, 0)),
        out_shape=jax.ShapeDtypeStruct((_BS, _CELLS_PAD, _FC), jnp.float32),
    )(lin3, feats_t)
    out = out[:, :_CELLS, :].transpose(0, 2, 1)
    return out.reshape(_BS, _FC, _MAP_HW, _MAP_HW)

# --- scband reference (transcript-rebuilt; emitter-appended) ---
"""Pipeline reference for scband-map-net-65867618451748 (READ-ONLY COPY).

The authoritative reference and input builder live on the scoring server;
editing this copy changes nothing except your own understanding.
"""

import jax, jax.numpy as jnp
import numpy as np
import math

LOCAL_MAP_SHAPE = (128, 101, 101)
MAP_SCALE = 0.1
MIN_DEPTH = 0.0
MAX_DEPTH = 10.0
HFOV = math.radians(90.0)
VFOV = math.radians(79.0)
EPS = -1e16


def setup_inputs(seed: int = 0):
    key = jax.random.key(seed)
    k1, k2 = jax.random.split(key)
    img_feats = jax.random.normal(k1, (16, 128, 128, 128), dtype=jnp.float32)
    depth = jax.random.uniform(k2, (16, 3, 512, 512), dtype=jnp.float32)
    return {"img_feats": img_feats, "depth": depth}


def _forward(img_feats, depth):
    bs = depth.shape[0]
    H, W = depth.shape[2], depth.shape[3]
    fx = W / 2 * (1.0 / math.tan(HFOV / 2))
    fy = H / 2 * (1.0 / math.tan(VFOV / 2))
    cx = W / 2
    cy = H / 2
    K = H // img_feats.shape[2]
    # _process_depth
    proc_depth = depth[:, 0:1] * MAX_DEPTH + MIN_DEPTH
    outh, outw = LOCAL_MAP_SHAPE[1], LOCAL_MAP_SHAPE[2]
    s = outw
    # compute_spatial_locs
    x = jnp.arange(0, W, dtype=jnp.float32).reshape(1, 1, 1, W)
    y = jnp.arange(H, 0, -1, dtype=jnp.float32).reshape(1, 1, H, 1)
    xx = (x - cx) / fx
    yy = (y - cy) / fy  # unused (return_height=False), kept for faithfulness
    Z = proc_depth
    X = xx * Z
    valid_inputs = jnp.abs(proc_depth - MIN_DEPTH) > 0.8
    z_gp = jnp.round(-(Z / MAP_SCALE) + (s - 1)).astype(jnp.int32)
    x_gp = jnp.round(X / MAP_SCALE + (s - 1) / 2).astype(jnp.int32)
    spatial_locs = jnp.concatenate([x_gp, z_gp], axis=1)  # (bs,2,H,W)
    # ground_projection
    Fc = img_feats.shape[1]
    HbyK, WbyK = img_feats.shape[2], img_feats.shape[3]
    rows = (jnp.arange(0, HbyK) * K + K // 2).astype(jnp.int32)
    cols = (jnp.arange(0, WbyK) * K + K // 2).astype(jnp.int32)
    input_idxes = spatial_locs[:, :, rows[:, None], cols]  # (bs,2,HbyK,WbyK)
    valid_d = valid_inputs[:, 0][:, rows[:, None], cols]  # (bs,HbyK,WbyK)
    invalid_d = jnp.logical_not(valid_d)
    idx_flip = input_idxes[:, ::-1]  # flip dim1 -> [z_gp, x_gp]
    r0 = idx_flip[:, 0]
    c0 = idx_flip[:, 1]
    invalid_writes = (r0 >= outh) | (c0 >= outw) | (r0 < 0) | (c0 < 0) | invalid_d
    r = jnp.where(invalid_writes, 0, r0)
    c = jnp.where(invalid_writes, 0, c0)
    iw = invalid_writes.astype(jnp.float32)[:, None]  # (bs,1,HbyK,WbyK)
    input_feats_masked = img_feats * (1.0 - iw) + EPS * iw
    input_feats_rshp = input_feats_masked.reshape(bs, Fc, -1)  # (bs,F,N)
    lin = (r * outw + c).reshape(bs, -1)  # (bs,N)
    out0 = jnp.full((bs, Fc, outh * outw), EPS, dtype=jnp.float32)

    def scat(ob, lb, fb):
        # scatter-max over map cells, index shared across feature channels
        return ob.at[:, lb].max(fb)

    out = jax.vmap(scat)(out0, lin, input_feats_rshp)
    out = out.reshape(bs, Fc, outh, outw)
    eps_mask = (out == EPS).astype(jnp.float32)
    out = out * (1.0 - eps_mask) + eps_mask * (out - EPS)
    return out


def reference(img_feats, depth):
    return _forward(img_feats, depth)

if __name__ == "__main__":
    import jax
    _d = setup_inputs()
    print(jax.jit(kernel)(*tuple(_d.values())))

</pallas_src>

<mosaic_0001>
module attributes {stable_mosaic.version = 14 : i64} {
  func.func @_scatter_body(%arg0: i32, %arg1: memref<1x1x16384xi32, #tpu.memory_space<smem>>, %arg2: memref<1x16384x128xf32, #tpu.memory_space<vmem>>, %arg3: memref<1x10208x128xf32, #tpu.memory_space<vmem>>) attributes {dimension_semantics = [#tpu.dimension_semantics<arbitrary>], iteration_bounds = array<i64: 16>, scalar_prefetch = 0 : i64, scratch_operands = 0 : i64, tpu.core_type = #tpu.core_type<tc>, window_params = [{transform_indices = @transform_0, window_bounds = array<i64: 1, 1, 16384>}, {transform_indices = @transform_1, window_bounds = array<i64: 1, 16384, 128>}, {transform_indices = @transform_2, window_bounds = array<i64: 1, 10208, 128>}]} {
    %broadcast_in_dim3A = arith.constant -1.000000e+16 : f32
    %broadcast_in_dim3A_0 = vector.broadcast %broadcast_in_dim3A : f32 to vector<1x10208x128xf32>
    %swap3A = arith.constant 0 : index
    %swap3A_1 = arith.constant 0 : index
    %swap3A_2 = arith.constant 0 : index
    %swap3A_3 = vector.load %arg3[%swap3A, %swap3A_1, %swap3A_2] : memref<1x10208x128xf32, #tpu.memory_space<vmem>>, vector<1x10208x128xf32>
    tpu.vector_store %arg3[%swap3A, %swap3A_1, %swap3A_2], %broadcast_in_dim3A_0 {strides = array<i32>} : memref<1x10208x128xf32, #tpu.memory_space<vmem>>, vector<1x10208x128xf32>,
    %scan3A = arith.constant 0 : i32
    %scan3A_4 = arith.constant 16384 : i32
    %scan3A_5 = arith.addi %scan3A, %scan3A_4 : i32
    %scan3A_6 = arith.constant 1 : i32
    scf.for %scan3A_18 = %scan3A to %scan3A_5 step %scan3A_6  : i32 {
      %get3A_19 = arith.constant 0 : index
      %get3A_20 = arith.constant 0 : index
      %get3A_21 = arith.index_cast %scan3A_18 : i32 to index
      %get3A_22 = memref.load %arg1[%get3A_19, %get3A_20, %get3A_21] : memref<1x1x16384xi32, #tpu.memory_space<smem>>
      %get3A_23 = arith.constant 0 : index
      %get3A_24 = arith.index_cast %scan3A_18 : i32 to index
      %get3A_25 = arith.constant 0 : index
      %get3A_26 = vector.load %arg2[%get3A_23, %get3A_24, %get3A_25] : memref<1x16384x128xf32, #tpu.memory_space<vmem>>, vector<1x1x128xf32>
      %get3A_27 = vector.shape_cast %get3A_26 : vector<1x1x128xf32> to vector<1x128xf32>
      %get3A_28 = arith.constant 0 : index
      %get3A_29 = arith.index_cast %get3A_22 : i32 to index
      %get3A_30 = arith.constant 0 : index
      %get3A_31 = vector.load %arg3[%get3A_28, %get3A_29, %get3A_30] : memref<1x10208x128xf32, #tpu.memory_space<vmem>>, vector<1x1x128xf32>
      %get3A_32 = vector.shape_cast %get3A_31 : vector<1x1x128xf32> to vector<1x128xf32>
      %max3A = arith.maximumf %get3A_32, %get3A_27 : vector<1x128xf32>
      %swap3A_33 = arith.constant 0 : index
      %swap3A_34 = arith.index_cast %get3A_22 : i32 to index
      %swap3A_35 = arith.constant 0 : index
      %swap3A_36 = vector.load %arg3[%swap3A_33, %swap3A_34, %swap3A_35] : memref<1x10208x128xf32, #tpu.memory_space<vmem>>, vector<1x1x128xf32>
      %swap3A_37 = vector.shape_cast %swap3A_36 : vector<1x1x128xf32> to vector<1x128xf32>
      %swap3A_38 = vector.shape_cast %max3A : vector<1x128xf32> to vector<1x1x128xf32>
      tpu.vector_store %arg3[%swap3A_33, %swap3A_34, %swap3A_35], %swap3A_38 {strides = array<i32>} : memref<1x10208x128xf32, #tpu.memory_space<vmem>>, vector<1x1x128xf32>,
    }
    %scan3A_7 = arith.constant 16384 : i32
    %get3A = arith.constant 0 : index
    %get3A_8 = arith.constant 0 : index
    %get3A_9 = arith.constant 0 : index
    %get3A_10 = vector.load %arg3[%get3A, %get3A_8, %get3A_9] : memref<1x10208x128xf32, #tpu.memory_space<vmem>>, vector<1x10208x128xf32>
    %eq3A = arith.constant -1.000000e+16 : f32
    %eq3A_11 = vector.broadcast %eq3A : f32 to vector<1x10208x128xf32>
    %eq3A_12 = arith.cmpf oeq, %get3A_10, %eq3A_11 : vector<1x10208x128xf32>
    %jit3A = arith.constant 0.000000e+00 : f32
    %broadcast_in_dim3A_13 = vector.broadcast %jit3A : f32 to vector<1x10208x128xf32>
    %select_n3A = arith.select %eq3A_12, %broadcast_in_dim3A_13, %get3A_10 : vector<1x10208x128xi1>, vector<1x10208x128xf32>
    %swap3A_14 = arith.constant 0 : index
    %swap3A_15 = arith.constant 0 : index
    %swap3A_16 = arith.constant 0 : index
    %swap3A_17 = vector.load %arg3[%swap3A_14, %swap3A_15, %swap3A_16] : memref<1x10208x128xf32, #tpu.memory_space<vmem>>, vector<1x10208x128xf32>
    tpu.vector_store %arg3[%swap3A_14, %swap3A_15, %swap3A_16], %select_n3A {strides = array<i32>} : memref<1x10208x128xf32, #tpu.memory_space<vmem>>, vector<1x10208x128xf32>,
    return
  }
  func.func @transform_0(%arg0: i32) -> (i32, i32, i32) {
    %c0_i32 = arith.constant 0 : i32
    %c0_i32_0 = arith.constant 0 : i32
    %c0_i32_1 = arith.constant 0 : i32
    return %arg0, %c0_i32, %c0_i32_0 : i32, i32, i32
  }
  func.func @transform_1(%arg0: i32) -> (i32, i32, i32) {
    %c0_i32 = arith.constant 0 : i32
    %c0_i32_0 = arith.constant 0 : i32
    %c0_i32_1 = arith.constant 0 : i32
    return %arg0, %c0_i32, %c0_i32_0 : i32, i32, i32
  }
  func.func @transform_2(%arg0: i32) -> (i32, i32, i32) {
    %c0_i32 = arith.constant 0 : i32
    %c0_i32_0 = arith.constant 0 : i32
    %c0_i32_1 = arith.constant 0 : i32
    return %arg0, %c0_i32, %c0_i32_0 : i32, i32, i32
  }
}

module attributes {stable_mosaic.version = 14 : i64} {
  func.func @_index_body(%arg0: memref<16x128x128xf32, #tpu.memory_space<vmem>>, %arg1: memref<16x128x128xi32, #tpu.memory_space<vmem>>) attributes {dimension_semantics = [], scalar_prefetch = 0 : i64, scratch_operands = 0 : i64, tpu.core_type = #tpu.core_type<tc>} {
    %get3A = arith.constant 0 : index
    %get3A_0 = arith.constant 0 : index
    %get3A_1 = arith.constant 0 : index
    %get3A_2 = vector.load %arg0[%get3A, %get3A_0, %get3A_1] : memref<16x128x128xf32, #tpu.memory_space<vmem>>, vector<16x128x128xf32>
    %mul3A = arith.constant 1.000000e+01 : f32
    %mul3A_3 = vector.broadcast %mul3A : f32 to vector<16x128x128xf32>
    %mul3A_4 = arith.mulf %get3A_2, %mul3A_3 : vector<16x128x128xf32>
    %abs3A = math.absf %mul3A_4 : vector<16x128x128xf32>
    %gt3A = arith.constant 8.000000e-01 : f32
    %gt3A_5 = vector.broadcast %gt3A : f32 to vector<16x128x128xf32>
    %gt3A_6 = arith.cmpf ogt, %abs3A, %gt3A_5 : vector<16x128x128xf32>
    %div3A = arith.constant 1.000000e-01 : f32
    %div3A_7 = vector.broadcast %div3A : f32 to vector<16x128x128xf32>
    %div3A_8 = arith.divf %mul3A_4, %div3A_7 : vector<16x128x128xf32>
    %neg3A = arith.constant 0.000000e+00 : f32
    %neg3A_9 = vector.broadcast %neg3A : f32 to vector<16x128x128xf32>
    %neg3A_10 = arith.subf %neg3A_9, %div3A_8 : vector<16x128x128xf32>
    %add3A = arith.constant 1.000000e+02 : f32
    %add3A_11 = vector.broadcast %add3A : f32 to vector<16x128x128xf32>
    %add3A_12 = arith.addf %neg3A_10, %add3A_11 : vector<16x128x128xf32>
    %round3A = math.roundeven %add3A_12 : vector<16x128x128xf32>
    %iota3A = tpu.iota {dimensions = array<i32: 2>} : vector<16x128x128xi32>
    %convert_element_type3A = arith.sitofp %iota3A : vector<16x128x128xi32> to vector<16x128x128xf32>
    %mul3A_13 = arith.constant 4.000000e+00 : f32
    %mul3A_14 = vector.broadcast %mul3A_13 : f32 to vector<16x128x128xf32>
    %mul3A_15 = arith.mulf %convert_element_type3A, %mul3A_14 : vector<16x128x128xf32>
    %add3A_16 = arith.constant 2.000000e+00 : f32
    %add3A_17 = vector.broadcast %add3A_16 : f32 to vector<16x128x128xf32>
    %add3A_18 = arith.addf %mul3A_15, %add3A_17 : vector<16x128x128xf32>
    %sub3A = arith.constant 2.560000e+02 : f32
    %sub3A_19 = vector.broadcast %sub3A : f32 to vector<16x128x128xf32>
    %sub3A_20 = arith.subf %add3A_18, %sub3A_19 : vector<16x128x128xf32>
    %div3A_21 = arith.constant 2.560000e+02 : f32
    %div3A_22 = vector.broadcast %div3A_21 : f32 to vector<16x128x128xf32>
    %div3A_23 = arith.divf %sub3A_20, %div3A_22 : vector<16x128x128xf32>
    %mul3A_24 = arith.mulf %div3A_23, %mul3A_4 : vector<16x128x128xf32>
    %div3A_25 = arith.constant 1.000000e-01 : f32
    %div3A_26 = vector.broadcast %div3A_25 : f32 to vector<16x128x128xf32>
    %div3A_27 = arith.divf %mul3A_24, %div3A_26 : vector<16x128x128xf32>
    %add3A_28 = arith.constant 5.000000e+01 : f32
    %add3A_29 = vector.broadcast %add3A_28 : f32 to vector<16x128x128xf32>
    %add3A_30 = arith.addf %div3A_27, %add3A_29 : vector<16x128x128xf32>
    %round3A_31 = math.roundeven %add3A_30 : vector<16x128x128xf32>
    %convert_element_type3A_32 = arith.fptosi %round3A : vector<16x128x128xf32> to vector<16x128x128xi32>
    %convert_element_type3A_33 = arith.fptosi %round3A_31 : vector<16x128x128xf32> to vector<16x128x128xi32>
    %ge3A = arith.constant 101 : i32
    %ge3A_34 = vector.broadcast %ge3A : i32 to vector<16x128x128xi32>
    %ge3A_35 = arith.cmpi sge, %convert_element_type3A_32, %ge3A_34 : vector<16x128x128xi32>
    %ge3A_36 = arith.constant 101 : i32
    %ge3A_37 = vector.broadcast %ge3A_36 : i32 to vector<16x128x128xi32>
    %ge3A_38 = arith.cmpi sge, %convert_element_type3A_33, %ge3A_37 : vector<16x128x128xi32>
    %or3A = arith.ori %ge3A_35, %ge3A_38 : vector<16x128x128xi1>
    %lt3A = arith.constant 0 : i32
    %lt3A_39 = vector.broadcast %lt3A : i32 to vector<16x128x128xi32>
    %lt3A_40 = arith.cmpi slt, %convert_element_type3A_32, %lt3A_39 : vector<16x128x128xi32>
    %or3A_41 = arith.ori %or3A, %lt3A_40 : vector<16x128x128xi1>
    %lt3A_42 = arith.constant 0 : i32
    %lt3A_43 = vector.broadcast %lt3A_42 : i32 to vector<16x128x128xi32>
    %lt3A_44 = arith.cmpi slt, %convert_element_type3A_33, %lt3A_43 : vector<16x128x128xi32>
    %or3A_45 = arith.ori %or3A_41, %lt3A_44 : vector<16x128x128xi1>
    %not3A = arith.constant dense<true> : vector<16x128x128xi1>
    %not3A_46 = arith.xori %gt3A_6, %not3A : vector<16x128x128xi1>
    %or3A_47 = arith.ori %or3A_45, %not3A_46 : vector<16x128x128xi1>
    %mul3A_48 = arith.constant 101 : i32
    %mul3A_49 = vector.broadcast %mul3A_48 : i32 to vector<16x128x128xi32>
    %mul3A_50 = arith.muli %convert_element_type3A_32, %mul3A_49 : vector<16x128x128xi32>
    %add3A_51 = arith.addi %mul3A_50, %convert_element_type3A_33 : vector<16x128x128xi32>
    %jit3A = arith.constant 10201 : i32
    %broadcast_in_dim3A = vector.broadcast %jit3A : i32 to vector<16x128x128xi32>
    %select_n3A = arith.select %or3A_47, %broadcast_in_dim3A, %add3A_51 : vector<16x128x128xi1>, vector<16x128x128xi32>
    %swap3A = arith.constant 0 : index
    %swap3A_52 = arith.constant 0 : index
    %swap3A_53 = arith.constant 0 : index
    %swap3A_54 = vector.load %arg1[%swap3A, %swap3A_52, %swap3A_53] : memref<16x128x128xi32, #tpu.memory_space<vmem>>, vector<16x128x128xi32>
    tpu.vector_store %arg1[%swap3A, %swap3A_52, %swap3A_53], %select_n3A {strides = array<i32>} : memref<16x128x128xi32, #tpu.memory_space<vmem>>, vector<16x128x128xi32>,
    return
  }
}

</mosaic_0001>

<sc_bundles>
// kernel: sparse-core-data-format-call.cloned.1.call-start
scs
called_computation_lowered:
.L_overlay_start_0:
0x0: {  	s2 =	sld [smem:$0x3FD9]  }
0x1: {  	s3 =	sld [smem:$0x3FFE];
	_ =	sdelay $0x1  }
0x2: {  	s1 =	srdreg.scid  }
0x3: {  	s0 =	sand.u32 $0x1, s1  }
0x4: {  	s18 =	sshll.u32 s0, $0xA;
	s2 =	sadd.s32 s3, s2  }
0x5: {  	s2 =	sadd.s32 s2, s18  }
0x6: {  	[smem:$0x3FC6] =	sst s2  }
0x7: {  	_ = 	snop  }
0x8: {  	s2 =	sld [smem:$0x3FD0];
	(tm) =	ssettm $0x1  }
0x9: {  	s19 =	sld [smem:$0x3FFB];
	_ =	sdelay $0x3  }
0xa: {  	_ =	strace s19  }
0xb: {  	s3 =	sld [smem:$0x3FFC];
	_ =	sdelay $0x3  }
0xc: {  	_ =	strace s3  }
0xd: {  	s3 =	sld [smem:$0x3FFD];
	_ =	sdelay $0x3  }
0xe: {  	_ =	strace s3  }
0xf: {  	_ =	strace $0x8FFFFFFF  }
0x10: {  	s20 =	sld [smem:$0x3FDB];
	_ =	sdelay $0x1  }
0x11: {  	s4 =	simm.s32 $_scs_section_size  }
0x12: {  	s5 =	simm.s32 $_size__tile_overlayer_lowered;
	s6 =	simm.s32 $_tile_overlayer_lowered  }
0x13: {  	s23 =	simm.s32 $0x1BFF;
	s22 =	sshll.u32 s6, $0x1;
	s3 =	sadd.s32 s4, s20  }
0x14: {  	s7 =	simm.s32 $0x0;
	s21 =	sshll.u32 s5, $0x1;
	s5 =	sadd.s32 s22, s3  }
0x15: {  	[timem:s7], [sflag:s23] =	dma.local [hbm:s5], s21  }
0x16: {  	_ =	swait.ge [sflag:s23], s21  }
0x17: {  	s4 =	ssub.s32 $0x0, s21;
	[sflag:s23] =	ssyncset.done $0x0  }
0x18: {  	[sflag:s23] =	ssyncadd.s32 s4;
	_ =	sdelay $0x1  }
0x19: {  	s24 =	simm.s32 $0x1B8B  }
0x1a: {  	_ =	swait.ge [sflag:s24], $0x1  }
0x1b: {  	[sflag:s24] =	ssyncset.done $0x0  }
0x1c: {  	s26 =	simm.s32 $0x1B8E;
	s25 =	sld [smem:$0x3FFE];
	[sflag:s24] =	ssyncadd.s32 $0xFFFFFFFF  }
0x1d: {  	s27 =	simm.s32 $execute0_lowered;
	[smem:$0x3FD2] =	sst s26  }
0x1e: {  	s5 =	sshll.u32 s27, $0x1;
	_ =	strace $0x80000046;
	[dreg:$0x1] =	wrdreg $0xFFFFFFFF  }
0x1f: {  	s28 =	simm.s32 $_size_execute0_lowered;
	s3 =	sadd.s32 s3, s5;
	[dreg:$0x0] =	wrdreg $0x0  }
0x20: {  	s5 =	sshll.u32 s28, $0x1;
	[dreg:$0x2] =	wrdreg s3  }
0x21: {  	[dreg:$0x3] =	wrdreg s5  }
0x22: {  	[dreg:$0x4] =	wrdreg $0xC0  }
0x23: {  	_ =	task [dreg:s7], $0x5FFFF  }
0x24: {  	[dreg:$0x1] =	wrdreg $0xFFFFFFFF  }
0x25: {  	[dreg:$0x0] =	wrdreg $0x60  }
0x26: {  	[dreg:$0x2] =	wrdreg s25  }
0x27: {  	[dreg:$0x3] =	wrdreg s2  }
0x28: {  	[dreg:$0x4] =	wrdreg $0x9  }
0x29: {  	_ =	task.clear_ibuf [dreg:s7], $0x5FFFF;
	_ =	strace $0x90000046  }
0x2a: {  	s29 =	simm.s32 $0x9;
	_ =	strace $0x80000048  }
0x2b: {  	_ =	swait.ge [sflag:s29], $0x1  }
0x2c: {  	[sflag:s29] =	ssyncadd.s32 $0xFFFFFFFF  }
0x2d: {  	_ =	strace $0x90000048  }
0x2e: {  	_ =	sfence  }
0x2f: {  	s30 =	sld [smem:$0x0];
	_ =	sdelay $0x2  }
0x30: {  	s31 =	sshll.u32 s1, $0xD;
	s1 =	sshrl.u32 s1, $0x2  }
0x31: {  	s3 =	sand.u32 $0x4000, s31;
	s1 =	sadd.s32 s1, s30  }
0x32: {  	s0 =	sor.u32 s3, s0;
	s1 =	sshll.u32 s1, $0x11  }
0x33: {  	s0 =	sor.u32 s1, s0  }
0x34: {  	s0 =	sadd.s32 $0x8F2B, s0  }
0x35: {  	[sflag:s0] =	ssyncadd.remote.s32 $0x1  }
0x36: {  	_ =	sfence.sel $0xFFFF  }
0x37: {  	[dreg:$0x0] =	wrdreg $0xFFFFFFFF;
	(pc) =	sbr.abs _section_cstart, $3  }
0x38: {  	[dreg:$0x1] =	wrdreg $0xFFFFFFFF  }
0x39: {  	_ =	task.clear_ibuf [dreg:s7], $0x2FFFF;
	_ =	strace $0x9FFFFFFF  }
0x3a: {  	(tm) =	ssettm $0x7FFFFFFF  }
0x3b: {  	_ =	shalt  }
tec
execute0_lowered:
.L_overlay_start_1:
0x0: {  	(tag) =	ssettag $0x1  }
0x1: {  	s7 =	rddreg [dreg:$0x0];
	s0 =	stileid.u32  }
0x2: {  	s2 =	rddreg [dreg:$0x1];
	s1 =	srdreg.scid  }
0x3: {  	s31 =	simm.s32 $0x2;
	s18 =	simm.s32 $0x0;
	s10 =	simm.s32 $0x800  }
0x4: {  	s11 =	simm.s32 $0x0;
	s17 =	simm.s32 $0x0;
	s12 =	simm.s32 $0x0  }
0x5: {  	s3 =	sshll.u32 s0, $0x2;
	s4 =	sshll.u32 s0, $0x3;
	s5 =	sshll.u32 s1, $0x7  }
0x6: {  	s13 =	simm.s32 $0x0;
	s3 =	sand.u32 $0xC, s3;
	s4 =	sor.u32 s4, s5  }
0x7: {  	s1 =	rddreg [dreg:$0x2];
	s30 =	ssub.s32 $0x10, s3;
	s4 =	sand.u32 $0xE0, s4  }
0x8: {  	_ =	strace $0x80000047;
	s6 =	sand.u32 $0xC, s30;
	s8 =	ssub.s32 $0x27C0, s4  }
0x9: {  	s9 =	sshrl.u32 s30, $0x4;
	p0 =	sne.s32 s6, $0x0;
	s6 =	simm.s32 $0x1  }
.Ltmp0:
0xa: {  	s8 =	sshrl.u32 s8, $0x8;
	s6 =	simm.s32 @!p0 $0x0;
	(pc) =	sbr.rel .LBB1_1-.Ltmp0, $4  }
0xb: {  	s5 =	simm.s32 $0x1;
	s8 =	sadd.s32 $0x1, s8;
	s6 =	sadd.s32 s6, s9  }
0xc: {  	s16 =	simm.s32 $0x0;
	[sflag:s5] =	ssyncpa.u1 $0x0;
	s6 =	smul.u32 s6, s8  }
0xd: {  	s7 =	sadd.s32 $0x400, s7;
	s15 =	smov.u32 s3;
	[sflag:s31] =	ssyncpa.u1 $0x0  }
0xe: {  	s14 =	smov.u32 s4;
	s9 =	simm.s32 $0x200;
	s8 =	sadd.s32 $0x1, s6  }
.LBB1_7:
0xf: {  	p0 =	slt.u32 s16, $0x2  }
0x10: {  	p1 =	sgt.s32 @!p0 s18, $0x27B9  }
0x11: {  	s19 =	smov.u32 s18;
	s20 =	sshra.s32 @!p0 s18, $0x1F;
	p1 =	por !p1, p0  }
0x12: {  	s21 =	sshra.s32 @!p0 s17, $0x1F;
	s19 =	simm.s32 @p1 $0x27B9;
	p1 =	sgt.s32 @!p0 s17, $0xC  }
0x13: {  	s18 =	sand.u32 @!p0 s20, s18;
	s20 =	smov.u32 s17;
	p1 =	por !p1, p0  }
0x14: {  	s17 =	sand.u32 @!p0 s21, s17;
	s20 =	simm.s32 @p1 $0xC  }
0x15: {  	s21 =	smov.u32 s15;
	s18 =	ssub.s32 @!p0 s19, s18;
	s17 =	ssub.s32 @!p0 s20, s17  }
0x16: {  	s19 =	sadd.s32 @!p0 $0xFFFFD847, s18;
	s18 =	ssub.s32 @!p0 $0x27D9, s18;
	s17 =	sadd.s32 @!p0 $0xFFFFFFF4, s17  }
0x17: {  	p1 =	sgt.s32 @!p0 s19, $0x1F;
	p2 =	sgt.s32 @!p0 s17, $0x3;
	s17 =	sshll.u32 @!p0 s17, $0x7  }
0x18: {  	p1 =	por !p1, p0;
	s17 =	ssub.s32 @!p0 $0x200, s17;
	p2 =	por !p2, p0  }
0x19: {  	s19 =	sadd.s32 $0x100, s14;
	s18 =	simm.s32 @!p1 $0x0;
	s17 =	simm.s32 @!p2 $0x0  }
0x1a: {  	p1 =	sgt.s32 s19, $0x27D8;
	s17 =	smul.u32 @!p0 s18, s17;
	s18 =	sadd.s32 $0x10, s15  }
0x1b: {  	s21 =	smov.u32 @p1 s18  }
0x1c: {  	s19 =	smov.u32 @p1 s4;
	p1 =	sgt.s32 s21, $0xF  }
0x1d: {  	s21 =	smov.u32 @p1 s3;
	p1 =	sne.s32 s16, s8  }
.Ltmp1:
0x1e: {  	s11 =	sadd.s32 $0x4000, s11;
	s20 =	simm.s32 @!p0 $0x2;
	(pc) =	sbr.rel @!p1 .LBB1_8-.Ltmp1, $4  }
0x1f: {  	s18 =	smov.u32 s12;
	s12 =	smov.u32 s14;
	s17 =	sand.u32 @!p0 $0x3FFFFF80, s17  }
0x20: {  	s14 =	smov.u32 s19;
	_ =	swait.ge @!p0 [sflag:s20], s17;
	s22 =	ssub.s32 @!p0 $0x0, s17  }
0x21: {  	s17 =	smov.u32 s13;
	s16 =	sadd.s32 $0x1, s16;
	[sflag:s20] =	ssyncset.done @!p0 $0x0  }
0x22: {  	s13 =	smov.u32 s15;
	s15 =	smov.u32 s21;
	[sflag:s20] =	ssyncadd.s32 @!p0 s22  }
.LBB1_1:
0x23: {  	p0 =	sge.u32 s16, s6  }
0x24: {  	s19 =	sand.u32 @!p0 $0x1FFFFFF, s14  }
0x25: {  	s20 =	smulhi.u32 @!p0 $0x19AE24F, s19;
	_ =	sdelay $0x1  }
0x26: {  	s20 =	sshrl.u32 @!p0 s20, $0x6  }
0x27: {  	s20 =	smul.u32 @!p0 $0x27E0, s20  }
0x28: {  	s21 =	sxor.u32 @!p0 $0xFFFFFFFF, s16;
	s22 =	smul.u32 @!p0 $0x27E00, s15  }
0x29: {  	s31 =	sadd.s32 $0xFFFFFFFF, s16;
	s21 =	sshll.u32 @!p0 s21, $0xE;
	s19 =	ssub.s32 @!p0 s19, s20  }
0x2a: {  	s20 =	sand.u32 @!p0 $0x4000, s21;
	s21 =	sadd.s32 @!p0 s7, s22;
	s19 =	sshll.u32 @!p0 s19, $0x4  }
0x2b: {  	s22 =	simm.s32 @!p0 $0x13F000;
	s19 =	sadd.s32 @!p0 s19, s21;
	s21 =	simm.s32 @!p0 $0x1000  }
0x2c: {  	[tilespmem:s20], [sflag:$0x1] =	stream.strided.gather @!p0 [hbm4b:s19+s21], $0x4000, s22, s21, $0x38;
	[tilespmem:$0x10000] =	vst v63  }
0x2d: {  	p0 =	sge.u32 s31, s6  }
.Ltmp2:
0x2e: {  	_ = 	snop;
	(pc) =	sbr.rel @p0 .LBB1_7-.Ltmp2, $1  }
0x2f: {  	_ =	sdelay $0x3  }
0x30: {  	s19 =	sand.u32 $0x4000, s11  }
0x31: {  	_ =	swait.ge [sflag:s5], $0x4000;
	s22 =	sshll.u32 s16, $0xE;
	s20 =	sor.u32 $0x8040, s19  }
0x32: {  	s21 =	sor.u32 $0x40, s19;
	[sflag:s5] =	ssyncset.done $0x0;
	s31 =	sand.u32 $0x4000, s22  }
0x33: {  	s22 =	simm.s32 $0x0;
	[sflag:s5] =	ssyncadd.s32 $0xFFFFC000;
	s19 =	sor.u32 $0x8000, s31  }
.LBB1_3:
0x34: {  	v0 =	vmov s21;
	_ =	sdelay $0x3  }
0x35: {  	s24 =	simm.s32 $0x0  }
0x36: {  	v6 =	vld.idx.msk [tilespmem:v0+s24+$0x30 ss:$0x1], $0xffff  }
0x37: {  	v7 =	vld.idx.msk [tilespmem:v0+s24+$0xFFFFFFC0 ss:$0x1], $0xffff  }
0x38: {  	v5 =	vld.idx.msk [tilespmem:v0+s24+$0xFFFFFFD0 ss:$0x1], $0xffff  }
0x39: {  	v4 =	vld.idx.msk [tilespmem:v0+s24+$0xFFFFFFE0 ss:$0x1], $0xffff  }
0x3a: {  	v3 =	vld.idx.msk [tilespmem:v0+s24+$0xFFFFFFF0 ss:$0x1], $0xffff  }
0x3b: {  	v1 =	vld.idx.msk [tilespmem:v0+s24+$0x0 ss:$0x1], $0xffff  }
0x3c: {  	v2 =	vld.idx.msk [tilespmem:v0+s24+$0x10 ss:$0x1], $0xffff;
	[tilespmem:s20+$0x30] =	vst v6  }
0x3d: {  	s23 =	simm.s32 $0x80;
	s25 =	simm.s32 $0x400;
	[tilespmem:s20+$0xFFFFFFC0] =	vst v7;
	v6 =	vld.idx.msk [tilespmem:v0+s24+$0x20 ss:$0x1], $0xffff;
	s24 =	smov.u32 s20  }
.LBB1_4:
0x3e: {  	p0 =	sne.s32 s25, $0x3E00;
	v7 =	vld.idx.msk [tilespmem:v0+s23+$0x30 ss:$0x1], $0xffff;
	[tilespmem:s24+$0xFFFFFFD0] =	vst v5  }
0x3f: {  	v8 =	vld.idx.msk [tilespmem:v0+s23+$0xFFFFFFC0 ss:$0x1], $0xffff;
	[tilespmem:s24+$0xFFFFFFE0] =	vst v4  }
0x40: {  	v5 =	vld.idx.msk [tilespmem:v0+s23+$0xFFFFFFD0 ss:$0x1], $0xffff;
	[tilespmem:s24+$0xFFFFFFF0] =	vst v3  }
.Ltmp3:
0x41: {  	v4 =	vld.idx.msk [tilespmem:v0+s23+$0xFFFFFFE0 ss:$0x1], $0xffff;
	[tilespmem:s24+$0x0] =	vst v1;
	(pc) =	sbr.rel @p0 .LBB1_4-.Ltmp3, $4  }
0x42: {  	v3 =	vld.idx.msk [tilespmem:v0+s23+$0xFFFFFFF0 ss:$0x1], $0xffff;
	[tilespmem:s24+$0x10] =	vst v2  }
0x43: {  	v1 =	vld.idx.msk [tilespmem:v0+s23+$0x0 ss:$0x1], $0xffff;
	[tilespmem:s24+$0x20] =	vst v6;
	s24 =	sadd.s32 $0x200, s24  }
0x44: {  	v2 =	vld.idx.msk [tilespmem:v0+s23+$0x10 ss:$0x1], $0xffff;
	[tilespmem:s24+$0x30] =	vst v7  }
0x45: {  	[tilespmem:s24+$0xFFFFFFC0] =	vst v8;
	v6 =	vld.idx.msk [tilespmem:v0+s23+$0x20 ss:$0x1], $0xffff;
	s23 =	sshra.s32 s25, $0x2;
	s25 =	sadd.s32 $0x200, s25  }
0x46: {  	_ =	sdelay $0x2  }
0x47: {  	[tilespmem:s24+$0xFFFFFFD0] =	vst v5  }
0x48: {  	v56 =	vld.idx.msk [tilespmem:v0+s23+$0x30 ss:$0x1], $0xffff;
	[tilespmem:s24+$0xFFFFFFE0] =	vst v4  }
0x49: {  	v57 =	vld.idx.msk [tilespmem:v0+s23+$0xFFFFFFC0 ss:$0x1], $0xffff;
	[tilespmem:s24+$0xFFFFFFF0] =	vst v3  }
0x4a: {  	v58 =	vld.idx.msk [tilespmem:v0+s23+$0xFFFFFFD0 ss:$0x1], $0xffff;
	[tilespmem:s24+$0x0] =	vst v1  }
0x4b: {  	v59 =	vld.idx.msk [tilespmem:v0+s23+$0xFFFFFFE0 ss:$0x1], $0xffff;
	[tilespmem:s24+$0x10] =	vst v2  }
0x4c: {  	v60 =	vld.idx.msk [tilespmem:v0+s23+$0xFFFFFFF0 ss:$0x1], $0xffff;
	s31 =	sadd.s32 $0x200, s24;
	[tilespmem:s24+$0x20] =	vst v6  }
0x4d: {  	v61 =	vld.idx.msk [tilespmem:v0+s23+$0x0 ss:$0x1], $0xffff;
	[tilespmem:s31+$0x30] =	vst v56  }
0x4e: {  	v62 =	vld.idx.msk [tilespmem:v0+s23+$0x10 ss:$0x1], $0xffff;
	s22 =	sadd.s32 $0x1, s22;
	[tilespmem:s31+$0xFFFFFFC0] =	vst v57  }
0x4f: {  	v63 =	vld.idx.msk [tilespmem:v0+s23+$0x20 ss:$0x1], $0xffff;
	p0 =	sne.s32 s22, $0x4;
	[tilespmem:s31+$0xFFFFFFD0] =	vst v58  }
.Ltmp4:
0x50: {  	[tilespmem:s31+$0xFFFFFFE0] =	vst v59;
	(pc) =	sbr.rel @p0 .LBB1_3-.Ltmp4, $4  }
0x51: {  	[tilespmem:s31+$0xFFFFFFF0] =	vst v60  }
0x52: {  	[tilespmem:s31+$0x0] =	vst v61  }
0x53: {  	[tilespmem:s31+$0x10] =	vst v62  }
0x54: {  	s20 =	sadd.s32 $0x80, s20;
	s21 =	sadd.s32 $0x1000, s21;
	[tilespmem:s31+$0x20] =	vst v63  }
0x55: {  	p0 =	sgt.s32 s12, $0x27B9;
	s20 =	smov.u32 s12;
	s22 =	smov.u32 s13  }
0x56: {  	s23 =	sshra.s32 s13, $0x1F;
	s20 =	simm.s32 @!p0 $0x27B9;
	p0 =	sgt.s32 s13, $0xC  }
0x57: {  	s21 =	sshra.s32 s12, $0x1F;
	s23 =	sand.u32 s23, s13;
	s22 =	simm.s32 @!p0 $0xC  }
0x58: {  	s21 =	sand.u32 s21, s12;
	s26 =	ssub.s32 s22, s23  }
0x59: {  	s29 =	sshll.u32 s13, $0x4;
	s20 =	ssub.s32 s20, s21;
	s21 =	sadd.s32 $0xFFFFFFF4, s26  }
0x5a: {  	s27 =	sadd.s32 $0xFFFFD847, s20;
	s20 =	ssub.s32 $0x27D9, s20;
	s28 =	sshll.u32 s21, $0x7  }
0x5b: {  	p0 =	sgt.s32 s27, $0x1F;
	p1 =	sgt.s32 s21, $0x3;
	s21 =	ssub.s32 $0x200, s28  }
.Ltmp5:
0x5c: {  	s20 =	simm.s32 @p0 $0x0;
	s21 =	simm.s32 @p1 $0x0;
	(pc) =	sbr.rel .LBB1_7-.Ltmp5, $4  }
0x5d: {  	s30 =	sand.u32 $0xF0, s29;
	s20 =	smul.u32 s20, s21  }
0x5e: {  	s31 =	sshll.u32 s12, $0x8;
	s21 =	sadd.s32 s2, s30  }
0x5f: {  	s21 =	sadd.s32 s31, s21;
	s20 =	sand.u32 $0x3FFFFF80, s20  }
0x60: {  	[hbm4b:s21+s9] =	stream.strided.scatter [tilespmem:s19], [sflag:$0x2], s20, s10, s9, $0x38;
	[tilespmem:$0x10000] =	vst v63  }
.LBB1_8:
0x61: {  	_ =	sfence.sel $0x180000  }
0x62: {  	s2 =	simm.s32 $0x1;
	[bflag:$0x0] =	sbarrier.arrive $0xFFFF  }
0x63: {  	s31 =	simm.s32 $0x2;
	[sflag:s2] =	ssyncpa.u1 $0x1  }
0x64: {  	[sflag:s31] =	ssyncpa.u1 $0x1  }
0x65: {  	p0 =	sne.s32 s0, $0x0;
	_ =	strace $0x90000047  }
0x66: {  	s0 =	sadd.s32 @!p0 $0x100000, s1;
	[bflag:$0x2] =	sbarrier.arrive $0xFFFF  }
0x67: {  	[sflag:s0] =	ssyncadd.tile.s32 @!p0 $0x1;
	_ =	shalt  }
.Lfunc_end1:
_tile_overlayer_lowered:
.L_overlay_start_2:
0x68: {  	(tag) =	ssettag $0x2  }
0x69: {  	s0 =	rddreg [dreg:$0x0];
	s2 =	stileid.u32  }
0x6a: {  	s1 =	rddreg [dreg:$0x1];
	p0 =	sne.s32 s2, $0x0  }
0x6b: {  	s3 =	rddreg [dreg:$0x2];
	[bflag:$0x3] =	sbarrier.arrive $0xFFFF;
	s2 =	simm.s32 @!p0 $0x1C01  }
0x6c: {  	[timem:s3], [sflag:s2] =	dma.local @!p0 [hbm:s0], s1  }
0x6d: {  	s0 =	simm.s32 @!p0 $0x1  }
0x6e: {  	_ =	swait.ge @!p0 [sflag:s0], s1  }
0x6f: {  	s1 =	ssub.s32 @!p0 $0x0, s1;
	[sflag:s0] =	ssyncset.done @!p0 $0x0  }
0x70: {  	[sflag:s0] =	ssyncadd.s32 @!p0 s1  }
0x71: {  	[bflag:$0x3] =	sbarrier.arrive $0xFFFF  }
0x72: {  	_ =	shalt  }

</sc_bundles>
